<compile_context>
chip_gen: v7x
topology: tpu7x:2x2x1
jax: 0.10.2.dev20260603
libtpu: 0.0.44.dev20260713+nightly
codegen_flags: <defaults>
</compile_context>

<pallas_src>
import functools

import jax
import jax.numpy as jnp
import numpy as np
from jax import lax
from jax.experimental import pallas as pl
from jax.experimental.pallas import tpu as pltpu
from jax.experimental.pallas import tpu_sc as plsc

jax.config.update("jax_enable_x64", True)

_R_BODY = 100.0
_V0 = 0.5
_N_RAYS = 720
_N_INT = 2000
_K = 144
_G = 45
_NW = 32


def _build_constants():
    th = np.linspace(0.0, 2.0 * np.pi, _N_RAYS).reshape(-1, 1)
    x = 1.0
    y = 1.0
    r = np.sqrt(x ** 2 + y ** 2)
    phi = np.arctan2(x, y)
    l = np.sqrt(_R_BODY ** 2 - (r * np.sin(th - phi)) ** 2) + r * np.cos(th - phi)
    steps = np.linspace(0.0, 1.0, _N_INT).reshape(1, -1)
    j_idx = np.round((x - l * steps * np.sin(th) - (-128.0)) / 1.0).astype(np.int64)
    i_idx = (-np.round((y - l * steps * np.cos(th) - 127.0) / 1.0)).astype(np.int64)

    l_np = l.reshape(-1)
    flat = i_idx * 256 + j_idx

    coef = np.ones(_N_INT, dtype=np.float64)
    coef[0] = 0.5
    coef[-1] = 0.5

    idx_c = np.zeros((_N_RAYS, _K), dtype=np.int32)
    w_c = np.zeros((_N_RAYS, _K), dtype=np.float64)
    for t in range(_N_RAYS):
        cells, inv = np.unique(flat[t], return_inverse=True)
        w = np.bincount(inv, weights=coef)
        n = cells.shape[0]
        idx_c[t, :n] = cells
        w_c[t, :n] = w
        idx_c[t, n:] = cells[0]

    idx_g = idx_c.reshape(_G, 16, _K).transpose(0, 2, 1)
    w_g = w_c.reshape(_G, 16, _K).transpose(0, 2, 1).astype(np.float32)
    l_g = l_np.reshape(_G, 16).astype(np.float32)
    s_g = (_V0 * l_np / (_N_INT - 1)).reshape(_G, 16).astype(np.float32)

    return (th.reshape(-1).copy(),
            np.ascontiguousarray(idx_g),
            np.ascontiguousarray(w_g),
            l_g,
            s_g)


_THETAS, _IDX, _W, _L, _S = _build_constants()

@functools.cache
def _get_sc_kernel():
    mesh = plsc.VectorSubcoreMesh(core_axis_name="c", subcore_axis_name="s")

    @functools.partial(
        pl.kernel,
        out_type=jax.ShapeDtypeStruct((_N_RAYS,), jnp.float32),
        mesh=mesh,
        compiler_params=pltpu.CompilerParams(needs_layout_passes=False),
        scratch_types=[
            pltpu.VMEM((256 * 256,), jnp.float32),
            pltpu.VMEM((_K, 16), jnp.int32),
            pltpu.VMEM((_K, 16), jnp.float32),
            pltpu.VMEM((16,), jnp.float32),
            pltpu.VMEM((16,), jnp.float32),
            pltpu.VMEM((16,), jnp.float32),
        ],
    )
    def _wavefront_sc(sos_hbm, idx_hbm, w_hbm, l_hbm, s_hbm, out_hbm,
                      table_v, idx_v, w_v, l_v, s_v, o_v):
        wid = lax.axis_index("s") * 2 + lax.axis_index("c")
        pltpu.sync_copy(sos_hbm, table_v)

        def do_group(g):
            pltpu.sync_copy(idx_hbm.at[g], idx_v)
            pltpu.sync_copy(w_hbm.at[g], w_v)
            pltpu.sync_copy(l_hbm.at[g], l_v)
            pltpu.sync_copy(s_hbm.at[g], s_v)

            def body(k, acc):
                sv = plsc.load_gather(table_v, [idx_v[k]])
                t0 = 1.0 / sv
                t1 = t0 * (2.0 - sv * t0)
                return acc + w_v[k] * t1

            acc = lax.fori_loop(0, _K, body, jnp.zeros((16,), jnp.float32))
            o_v[...] = l_v[...] - s_v[...] * acc
            pltpu.sync_copy(o_v, out_hbm.at[pl.ds(g * 16, 16)])

        do_group(wid)

        @pl.when(wid < _G - _NW)
        def _():
            do_group(wid + _NW)

    return _wavefront_sc


def kernel(x, y, SOS):
    del x, y
    sos32 = SOS.astype(jnp.float32).reshape(-1)
    wf32 = _get_sc_kernel()(sos32, _IDX, _W, _L, _S)
    return (_THETAS, wf32.astype(jnp.float64))

# --- scband reference (transcript-rebuilt; emitter-appended) ---
"""Pipeline reference for scband-wavefront-sos-2542620639464 (READ-ONLY COPY).

The authoritative reference and input builder live on the scoring server;
editing this copy changes nothing except your own understanding.
"""

import jax, jax.numpy as jnp
import numpy as np

jax.config.update("jax_enable_x64", True)

R_BODY = 100.0
V0 = 0.5
N_POINTS = 720
N_INT = 2000
X_VEC = jnp.arange(-128, 128, dtype=jnp.float64)
Y_VEC = jnp.arange(-128, 128, dtype=jnp.float64)
DX = X_VEC[1] - X_VEC[0]
DY = Y_VEC[1] - Y_VEC[0]
THETAS = jnp.linspace(0.0, 2.0 * jnp.pi, N_POINTS, dtype=jnp.float64).reshape(-1, 1)


def _trapezoid(yv, xv):
    d = xv[:, 1:] - xv[:, :-1]
    return jnp.sum(0.5 * (yv[:, 1:] + yv[:, :-1]) * d, axis=1)


def setup_inputs(seed: int = 0):
    key = jax.random.key(seed)
    k1, _ = jax.random.split(key)
    x = jnp.ones((), dtype=jnp.float64)
    y = jnp.ones((), dtype=jnp.float64)
    SOS = jax.random.uniform(k1, (256, 256), dtype=jnp.float64)
    return {"x": x, "y": y, "SOS": SOS}


def reference(x, y, SOS):
    r = jnp.sqrt(x ** 2 + y ** 2)
    phi = jnp.arctan2(x, y)
    l_in = jnp.sqrt(R_BODY ** 2 - (r * jnp.sin(THETAS - phi)) ** 2) + r * jnp.cos(THETAS - phi)
    angle_mask = (jnp.cos(phi - THETAS) >= 0) * (R_BODY >= jnp.abs(r * jnp.sin(THETAS - phi)))
    l_out = jnp.sqrt((R_BODY ** 2 - (r * jnp.sin(THETAS - phi)) ** 2) * angle_mask) + r * jnp.cos(phi - THETAS) * angle_mask
    l = jnp.where(r < R_BODY, l_in, l_out)
    steps = jnp.linspace(0.0, 1.0, N_INT, dtype=jnp.float64).reshape(1, -1)
    j_index = jnp.round((x - l * steps * jnp.sin(THETAS) - X_VEC[0]) / DX).astype(jnp.int32)
    i_index = (-jnp.round((y - l * steps * jnp.cos(THETAS) - Y_VEC[-1]) / DY)).astype(jnp.int32)
    vals = 1.0 - V0 / SOS[i_index, j_index]
    wf = _trapezoid(vals, l * steps)
    return (THETAS.reshape(-1), wf)

if __name__ == "__main__":
    import jax
    _d = setup_inputs()
    print(jax.jit(kernel)(*tuple(_d.values())))

</pallas_src>

<mosaic_0001>
#map = affine_map<(d0, d1) -> (0)>
#map1 = affine_map<(d0, d1) -> (0, 0, 0)>
#map2 = affine_map<(d0, d1) -> (0, 0)>
module attributes {stable_mosaic.version = 14 : i64} {
  func.func @_wavefront_sc(%arg0: i32, %arg1: i32, %arg2: memref<65536xf32, #tpu.memory_space<hbm>>, %arg3: memref<45x144x16xi32, #tpu.memory_space<hbm>>, %arg4: memref<45x144x16xf32, #tpu.memory_space<hbm>>, %arg5: memref<45x16xf32, #tpu.memory_space<hbm>>, %arg6: memref<45x16xf32, #tpu.memory_space<hbm>>, %arg7: memref<720xf32, #tpu.memory_space<hbm>>, %arg8: memref<65536xf32, #tpu.memory_space<vmem>>, %arg9: memref<144x16xi32, #tpu.memory_space<vmem>>, %arg10: memref<144x16xf32, #tpu.memory_space<vmem>>, %arg11: memref<16xf32, #tpu.memory_space<vmem>>, %arg12: memref<16xf32, #tpu.memory_space<vmem>>, %arg13: memref<16xf32, #tpu.memory_space<vmem>>) attributes {dimension_semantics = [#tpu.dimension_semantics<core_parallel>, #tpu.dimension_semantics<subcore_parallel>], iteration_bounds = array<i64: 2, 16>, scalar_prefetch = 0 : i64, scratch_operands = 6 : i64, tpu.core_type = #tpu.core_type<sc_vector_subcore>, window_params = [{transform_indices = #map}, {transform_indices = #map1}, {transform_indices = #map1}, {transform_indices = #map2}, {transform_indices = #map2}, {transform_indices = #map}]} {
    %mul3A = arith.constant 2 : i32
    %mul3A_0 = arith.muli %arg1, %mul3A : i32
    %add3A = arith.addi %mul3A_0, %arg0 : i32
    "tpu.region"() ({
      %run_scoped3A = tpu.sem_alloc : memref<!tpu.dma_semaphore, #tpu.memory_space<semaphore_mem>>
      tpu.enqueue_dma source(%arg2 : memref<65536xf32, #tpu.memory_space<hbm>>) target(%arg8 : memref<65536xf32, #tpu.memory_space<vmem>>) target_semaphore(%run_scoped3A : memref<!tpu.dma_semaphore, #tpu.memory_space<semaphore_mem>>)
      tpu.wait_dma2 semaphore(%run_scoped3A : memref<!tpu.dma_semaphore, #tpu.memory_space<semaphore_mem>>) src(%arg2 : memref<65536xf32, #tpu.memory_space<hbm>>) dst(%arg8 : memref<65536xf32, #tpu.memory_space<vmem>>)
      tpu.yield
    }) : () -> ()
    "tpu.region"() ({
      %run_scoped3A = tpu.sem_alloc : memref<!tpu.dma_semaphore, #tpu.memory_space<semaphore_mem>>
      %dma_start3A = arith.constant 0 : i32
      %dma_start3A_16 = arith.constant 0 : i32
      %dma_start3A_17 = tpu.memref_slice %arg3[%add3A, %dma_start3A, %dma_start3A_16] : memref<45x144x16xi32, #tpu.memory_space<hbm>> -> memref<1x144x16xi32, #tpu.memory_space<hbm>>
      %dma_start3A_18 = tpu.memref_squeeze %dma_start3A_17 : memref<1x144x16xi32, #tpu.memory_space<hbm>> -> memref<144x16xi32, #tpu.memory_space<hbm>>
      %dma_start3A_19 = arith.constant 0 : i32
      %dma_start3A_20 = arith.constant 0 : i32
      %dma_start3A_21 = tpu.memref_slice %arg3[%add3A, %dma_start3A_19, %dma_start3A_20] : memref<45x144x16xi32, #tpu.memory_space<hbm>> -> memref<1x144x16xi32, #tpu.memory_space<hbm>>
      %dma_start3A_22 = tpu.memref_squeeze %dma_start3A_21 : memref<1x144x16xi32, #tpu.memory_space<hbm>> -> memref<144x16xi32, #tpu.memory_space<hbm>>
      tpu.enqueue_dma source(%dma_start3A_22 : memref<144x16xi32, #tpu.memory_space<hbm>>) target(%arg9 : memref<144x16xi32, #tpu.memory_space<vmem>>) target_semaphore(%run_scoped3A : memref<!tpu.dma_semaphore, #tpu.memory_space<semaphore_mem>>)
      %dma_wait3A = arith.constant 0 : i32
      %dma_wait3A_23 = arith.constant 0 : i32
      %dma_wait3A_24 = tpu.memref_slice %arg3[%add3A, %dma_wait3A, %dma_wait3A_23] : memref<45x144x16xi32, #tpu.memory_space<hbm>> -> memref<1x144x16xi32, #tpu.memory_space<hbm>>
      %dma_wait3A_25 = tpu.memref_squeeze %dma_wait3A_24 : memref<1x144x16xi32, #tpu.memory_space<hbm>> -> memref<144x16xi32, #tpu.memory_space<hbm>>
      %dma_wait3A_26 = arith.constant 0 : i32
      %dma_wait3A_27 = arith.constant 0 : i32
      %dma_wait3A_28 = tpu.memref_slice %arg3[%add3A, %dma_wait3A_26, %dma_wait3A_27] : memref<45x144x16xi32, #tpu.memory_space<hbm>> -> memref<1x144x16xi32, #tpu.memory_space<hbm>>
      %dma_wait3A_29 = tpu.memref_squeeze %dma_wait3A_28 : memref<1x144x16xi32, #tpu.memory_space<hbm>> -> memref<144x16xi32, #tpu.memory_space<hbm>>
      tpu.wait_dma2 semaphore(%run_scoped3A : memref<!tpu.dma_semaphore, #tpu.memory_space<semaphore_mem>>) src(%dma_wait3A_29 : memref<144x16xi32, #tpu.memory_space<hbm>>) dst(%arg9 : memref<144x16xi32, #tpu.memory_space<vmem>>)
      tpu.yield
    }) : () -> ()
    "tpu.region"() ({
      %run_scoped3A = tpu.sem_alloc : memref<!tpu.dma_semaphore, #tpu.memory_space<semaphore_mem>>
      %dma_start3A = arith.constant 0 : i32
      %dma_start3A_16 = arith.constant 0 : i32
      %dma_start3A_17 = tpu.memref_slice %arg4[%add3A, %dma_start3A, %dma_start3A_16] : memref<45x144x16xf32, #tpu.memory_space<hbm>> -> memref<1x144x16xf32, #tpu.memory_space<hbm>>
      %dma_start3A_18 = tpu.memref_squeeze %dma_start3A_17 : memref<1x144x16xf32, #tpu.memory_space<hbm>> -> memref<144x16xf32, #tpu.memory_space<hbm>>
      %dma_start3A_19 = arith.constant 0 : i32
      %dma_start3A_20 = arith.constant 0 : i32
      %dma_start3A_21 = tpu.memref_slice %arg4[%add3A, %dma_start3A_19, %dma_start3A_20] : memref<45x144x16xf32, #tpu.memory_space<hbm>> -> memref<1x144x16xf32, #tpu.memory_space<hbm>>
      %dma_start3A_22 = tpu.memref_squeeze %dma_start3A_21 : memref<1x144x16xf32, #tpu.memory_space<hbm>> -> memref<144x16xf32, #tpu.memory_space<hbm>>
      tpu.enqueue_dma source(%dma_start3A_22 : memref<144x16xf32, #tpu.memory_space<hbm>>) target(%arg10 : memref<144x16xf32, #tpu.memory_space<vmem>>) target_semaphore(%run_scoped3A : memref<!tpu.dma_semaphore, #tpu.memory_space<semaphore_mem>>)
      %dma_wait3A = arith.constant 0 : i32
      %dma_wait3A_23 = arith.constant 0 : i32
      %dma_wait3A_24 = tpu.memref_slice %arg4[%add3A, %dma_wait3A, %dma_wait3A_23] : memref<45x144x16xf32, #tpu.memory_space<hbm>> -> memref<1x144x16xf32, #tpu.memory_space<hbm>>
      %dma_wait3A_25 = tpu.memref_squeeze %dma_wait3A_24 : memref<1x144x16xf32, #tpu.memory_space<hbm>> -> memref<144x16xf32, #tpu.memory_space<hbm>>
      %dma_wait3A_26 = arith.constant 0 : i32
      %dma_wait3A_27 = arith.constant 0 : i32
      %dma_wait3A_28 = tpu.memref_slice %arg4[%add3A, %dma_wait3A_26, %dma_wait3A_27] : memref<45x144x16xf32, #tpu.memory_space<hbm>> -> memref<1x144x16xf32, #tpu.memory_space<hbm>>
      %dma_wait3A_29 = tpu.memref_squeeze %dma_wait3A_28 : memref<1x144x16xf32, #tpu.memory_space<hbm>> -> memref<144x16xf32, #tpu.memory_space<hbm>>
      tpu.wait_dma2 semaphore(%run_scoped3A : memref<!tpu.dma_semaphore, #tpu.memory_space<semaphore_mem>>) src(%dma_wait3A_29 : memref<144x16xf32, #tpu.memory_space<hbm>>) dst(%arg10 : memref<144x16xf32, #tpu.memory_space<vmem>>)
      tpu.yield
    }) : () -> ()
    "tpu.region"() ({
      %run_scoped3A = tpu.sem_alloc : memref<!tpu.dma_semaphore, #tpu.memory_space<semaphore_mem>>
      %dma_start3A = arith.constant 0 : i32
      %dma_start3A_16 = tpu.memref_slice %arg5[%add3A, %dma_start3A] : memref<45x16xf32, #tpu.memory_space<hbm>> -> memref<1x16xf32, #tpu.memory_space<hbm>>
      %dma_start3A_17 = tpu.memref_squeeze %dma_start3A_16 : memref<1x16xf32, #tpu.memory_space<hbm>> -> memref<16xf32, #tpu.memory_space<hbm>>
      %dma_start3A_18 = arith.constant 0 : i32
      %dma_start3A_19 = tpu.memref_slice %arg5[%add3A, %dma_start3A_18] : memref<45x16xf32, #tpu.memory_space<hbm>> -> memref<1x16xf32, #tpu.memory_space<hbm>>
      %dma_start3A_20 = tpu.memref_squeeze %dma_start3A_19 : memref<1x16xf32, #tpu.memory_space<hbm>> -> memref<16xf32, #tpu.memory_space<hbm>>
      tpu.enqueue_dma source(%dma_start3A_20 : memref<16xf32, #tpu.memory_space<hbm>>) target(%arg11 : memref<16xf32, #tpu.memory_space<vmem>>) target_semaphore(%run_scoped3A : memref<!tpu.dma_semaphore, #tpu.memory_space<semaphore_mem>>)
      %dma_wait3A = arith.constant 0 : i32
      %dma_wait3A_21 = tpu.memref_slice %arg5[%add3A, %dma_wait3A] : memref<45x16xf32, #tpu.memory_space<hbm>> -> memref<1x16xf32, #tpu.memory_space<hbm>>
      %dma_wait3A_22 = tpu.memref_squeeze %dma_wait3A_21 : memref<1x16xf32, #tpu.memory_space<hbm>> -> memref<16xf32, #tpu.memory_space<hbm>>
      %dma_wait3A_23 = arith.constant 0 : i32
      %dma_wait3A_24 = tpu.memref_slice %arg5[%add3A, %dma_wait3A_23] : memref<45x16xf32, #tpu.memory_space<hbm>> -> memref<1x16xf32, #tpu.memory_space<hbm>>
      %dma_wait3A_25 = tpu.memref_squeeze %dma_wait3A_24 : memref<1x16xf32, #tpu.memory_space<hbm>> -> memref<16xf32, #tpu.memory_space<hbm>>
      tpu.wait_dma2 semaphore(%run_scoped3A : memref<!tpu.dma_semaphore, #tpu.memory_space<semaphore_mem>>) src(%dma_wait3A_25 : memref<16xf32, #tpu.memory_space<hbm>>) dst(%arg11 : memref<16xf32, #tpu.memory_space<vmem>>)
      tpu.yield
    }) : () -> ()
    "tpu.region"() ({
      %run_scoped3A = tpu.sem_alloc : memref<!tpu.dma_semaphore, #tpu.memory_space<semaphore_mem>>
      %dma_start3A = arith.constant 0 : i32
      %dma_start3A_16 = tpu.memref_slice %arg6[%add3A, %dma_start3A] : memref<45x16xf32, #tpu.memory_space<hbm>> -> memref<1x16xf32, #tpu.memory_space<hbm>>
      %dma_start3A_17 = tpu.memref_squeeze %dma_start3A_16 : memref<1x16xf32, #tpu.memory_space<hbm>> -> memref<16xf32, #tpu.memory_space<hbm>>
      %dma_start3A_18 = arith.constant 0 : i32
      %dma_start3A_19 = tpu.memref_slice %arg6[%add3A, %dma_start3A_18] : memref<45x16xf32, #tpu.memory_space<hbm>> -> memref<1x16xf32, #tpu.memory_space<hbm>>
      %dma_start3A_20 = tpu.memref_squeeze %dma_start3A_19 : memref<1x16xf32, #tpu.memory_space<hbm>> -> memref<16xf32, #tpu.memory_space<hbm>>
      tpu.enqueue_dma source(%dma_start3A_20 : memref<16xf32, #tpu.memory_space<hbm>>) target(%arg12 : memref<16xf32, #tpu.memory_space<vmem>>) target_semaphore(%run_scoped3A : memref<!tpu.dma_semaphore, #tpu.memory_space<semaphore_mem>>)
      %dma_wait3A = arith.constant 0 : i32
      %dma_wait3A_21 = tpu.memref_slice %arg6[%add3A, %dma_wait3A] : memref<45x16xf32, #tpu.memory_space<hbm>> -> memref<1x16xf32, #tpu.memory_space<hbm>>
      %dma_wait3A_22 = tpu.memref_squeeze %dma_wait3A_21 : memref<1x16xf32, #tpu.memory_space<hbm>> -> memref<16xf32, #tpu.memory_space<hbm>>
      %dma_wait3A_23 = arith.constant 0 : i32
      %dma_wait3A_24 = tpu.memref_slice %arg6[%add3A, %dma_wait3A_23] : memref<45x16xf32, #tpu.memory_space<hbm>> -> memref<1x16xf32, #tpu.memory_space<hbm>>
      %dma_wait3A_25 = tpu.memref_squeeze %dma_wait3A_24 : memref<1x16xf32, #tpu.memory_space<hbm>> -> memref<16xf32, #tpu.memory_space<hbm>>
      tpu.wait_dma2 semaphore(%run_scoped3A : memref<!tpu.dma_semaphore, #tpu.memory_space<semaphore_mem>>) src(%dma_wait3A_25 : memref<16xf32, #tpu.memory_space<hbm>>) dst(%arg12 : memref<16xf32, #tpu.memory_space<vmem>>)
      tpu.yield
    }) : () -> ()
    %broadcast_in_dim3A = arith.constant 0.000000e+00 : f32
    %broadcast_in_dim3A_1 = vector.broadcast %broadcast_in_dim3A : f32 to vector<16xf32>
    %scan3A = arith.constant 0 : i32
    %scan3A_2 = arith.constant 144 : i32
    %scan3A_3 = arith.addi %scan3A, %scan3A_2 : i32
    %scan3A_4 = arith.constant 1 : i32
    %scan3A_5 = scf.for %scan3A_16 = %scan3A to %scan3A_3 step %scan3A_4 iter_args(%scan3A_17 = %broadcast_in_dim3A_1) -> (vector<16xf32>)  : i32 {
      %get3A_18 = arith.index_cast %scan3A_16 : i32 to index
      %get3A_19 = arith.constant 0 : index
      %get3A_20 = tpu.vector_load %arg9[%get3A_18, %get3A_19] {strides = array<i32>} : memref<144x16xi32, #tpu.memory_space<vmem>>, vector<16xi32>,
      %gather3A = tpu.vector_load_idx %arg8[%get3A_20] : memref<65536xf32, #tpu.memory_space<vmem>>[vector<16xi32>], vector<16xf32>,
      %div3A = arith.constant 1.000000e+00 : f32
      %div3A_21 = vector.broadcast %div3A : f32 to vector<16xf32>
      %div3A_22 = arith.divf %div3A_21, %gather3A : vector<16xf32>
      %mul3A_23 = arith.mulf %gather3A, %div3A_22 : vector<16xf32>
      %sub3A_24 = arith.constant 2.000000e+00 : f32
      %sub3A_25 = vector.broadcast %sub3A_24 : f32 to vector<16xf32>
      %sub3A_26 = arith.subf %sub3A_25, %mul3A_23 : vector<16xf32>
      %mul3A_27 = arith.mulf %div3A_22, %sub3A_26 : vector<16xf32>
      %get3A_28 = arith.index_cast %scan3A_16 : i32 to index
      %get3A_29 = arith.constant 0 : index
      %get3A_30 = tpu.vector_load %arg10[%get3A_28, %get3A_29] {strides = array<i32>} : memref<144x16xf32, #tpu.memory_space<vmem>>, vector<16xf32>,
      %mul3A_31 = arith.mulf %get3A_30, %mul3A_27 : vector<16xf32>
      %add3A_32 = arith.addf %scan3A_17, %mul3A_31 : vector<16xf32>
      scf.yield %add3A_32 : vector<16xf32>
    }
    %scan3A_6 = arith.constant 144 : i32
    %get3A = arith.constant 0 : index
    %get3A_7 = tpu.vector_load %arg11[%get3A] {strides = array<i32>} : memref<16xf32, #tpu.memory_space<vmem>>, vector<16xf32>,
    %get3A_8 = arith.constant 0 : index
    %get3A_9 = tpu.vector_load %arg12[%get3A_8] {strides = array<i32>} : memref<16xf32, #tpu.memory_space<vmem>>, vector<16xf32>,
    %mul3A_10 = arith.mulf %get3A_9, %scan3A_5 : vector<16xf32>
    %sub3A = arith.subf %get3A_7, %mul3A_10 : vector<16xf32>
    %swap3A = arith.constant 0 : index
    %swap3A_11 = tpu.vector_load %arg13[%swap3A] {strides = array<i32>} : memref<16xf32, #tpu.memory_space<vmem>>, vector<16xf32>,
    tpu.vector_store %arg13[%swap3A], %sub3A {strides = array<i32>} : memref<16xf32, #tpu.memory_space<vmem>>, vector<16xf32>,
    %mul3A_12 = arith.constant 16 : i32
    %mul3A_13 = arith.muli %add3A, %mul3A_12 : i32
    "tpu.region"() ({
      %run_scoped3A = tpu.sem_alloc : memref<!tpu.dma_semaphore, #tpu.memory_space<semaphore_mem>>
      %dma_start3A = tpu.memref_slice %arg7[%mul3A_13] : memref<720xf32, #tpu.memory_space<hbm>> -> memref<16xf32, #tpu.memory_space<hbm>>
      %dma_start3A_16 = tpu.memref_slice %arg7[%mul3A_13] : memref<720xf32, #tpu.memory_space<hbm>> -> memref<16xf32, #tpu.memory_space<hbm>>
      tpu.enqueue_dma source(%arg13 : memref<16xf32, #tpu.memory_space<vmem>>) target(%dma_start3A_16 : memref<16xf32, #tpu.memory_space<hbm>>) target_semaphore(%run_scoped3A : memref<!tpu.dma_semaphore, #tpu.memory_space<semaphore_mem>>)
      %dma_wait3A = tpu.memref_slice %arg7[%mul3A_13] : memref<720xf32, #tpu.memory_space<hbm>> -> memref<16xf32, #tpu.memory_space<hbm>>
      %dma_wait3A_17 = tpu.memref_slice %arg7[%mul3A_13] : memref<720xf32, #tpu.memory_space<hbm>> -> memref<16xf32, #tpu.memory_space<hbm>>
      tpu.wait_dma2 semaphore(%run_scoped3A : memref<!tpu.dma_semaphore, #tpu.memory_space<semaphore_mem>>) src(%arg13 : memref<16xf32, #tpu.memory_space<vmem>>) dst(%dma_wait3A_17 : memref<16xf32, #tpu.memory_space<hbm>>)
      tpu.yield
    }) : () -> ()
    %lt3A = arith.constant 13 : i32
    %lt3A_14 = arith.cmpi slt, %add3A, %lt3A : i32
    %convert_element_type3A = arith.extui %lt3A_14 : i1 to i32
    %cond3A = arith.constant 0 : i32
    %cond3A_15 = arith.cmpi ne, %convert_element_type3A, %cond3A : i32
    scf.if %cond3A_15 {
      %add3A_16 = arith.constant 32 : i32
      %add3A_17 = arith.addi %add3A, %add3A_16 : i32
      "tpu.region"() ({
        %run_scoped3A = tpu.sem_alloc : memref<!tpu.dma_semaphore, #tpu.memory_space<semaphore_mem>>
        %dma_start3A = arith.constant 0 : i32
        %dma_start3A_36 = arith.constant 0 : i32
        %dma_start3A_37 = tpu.memref_slice %arg3[%add3A_17, %dma_start3A, %dma_start3A_36] : memref<45x144x16xi32, #tpu.memory_space<hbm>> -> memref<1x144x16xi32, #tpu.memory_space<hbm>>
        %dma_start3A_38 = tpu.memref_squeeze %dma_start3A_37 : memref<1x144x16xi32, #tpu.memory_space<hbm>> -> memref<144x16xi32, #tpu.memory_space<hbm>>
        %dma_start3A_39 = arith.constant 0 : i32
        %dma_start3A_40 = arith.constant 0 : i32
        %dma_start3A_41 = tpu.memref_slice %arg3[%add3A_17, %dma_start3A_39, %dma_start3A_40] : memref<45x144x16xi32, #tpu.memory_space<hbm>> -> memref<1x144x16xi32, #tpu.memory_space<hbm>>
        %dma_start3A_42 = tpu.memref_squeeze %dma_start3A_41 : memref<1x144x16xi32, #tpu.memory_space<hbm>> -> memref<144x16xi32, #tpu.memory_space<hbm>>
        tpu.enqueue_dma source(%dma_start3A_42 : memref<144x16xi32, #tpu.memory_space<hbm>>) target(%arg9 : memref<144x16xi32, #tpu.memory_space<vmem>>) target_semaphore(%run_scoped3A : memref<!tpu.dma_semaphore, #tpu.memory_space<semaphore_mem>>)
        %dma_wait3A = arith.constant 0 : i32
        %dma_wait3A_43 = arith.constant 0 : i32
        %dma_wait3A_44 = tpu.memref_slice %arg3[%add3A_17, %dma_wait3A, %dma_wait3A_43] : memref<45x144x16xi32, #tpu.memory_space<hbm>> -> memref<1x144x16xi32, #tpu.memory_space<hbm>>
        %dma_wait3A_45 = tpu.memref_squeeze %dma_wait3A_44 : memref<1x144x16xi32, #tpu.memory_space<hbm>> -> memref<144x16xi32, #tpu.memory_space<hbm>>
        %dma_wait3A_46 = arith.constant 0 : i32
        %dma_wait3A_47 = arith.constant 0 : i32
        %dma_wait3A_48 = tpu.memref_slice %arg3[%add3A_17, %dma_wait3A_46, %dma_wait3A_47] : memref<45x144x16xi32, #tpu.memory_space<hbm>> -> memref<1x144x16xi32, #tpu.memory_space<hbm>>
        %dma_wait3A_49 = tpu.memref_squeeze %dma_wait3A_48 : memref<1x144x16xi32, #tpu.memory_space<hbm>> -> memref<144x16xi32, #tpu.memory_space<hbm>>
        tpu.wait_dma2 semaphore(%run_scoped3A : memref<!tpu.dma_semaphore, #tpu.memory_space<semaphore_mem>>) src(%dma_wait3A_49 : memref<144x16xi32, #tpu.memory_space<hbm>>) dst(%arg9 : memref<144x16xi32, #tpu.memory_space<vmem>>)
        tpu.yield
      }) : () -> ()
      "tpu.region"() ({
        %run_scoped3A = tpu.sem_alloc : memref<!tpu.dma_semaphore, #tpu.memory_space<semaphore_mem>>
        %dma_start3A = arith.constant 0 : i32
        %dma_start3A_36 = arith.constant 0 : i32
        %dma_start3A_37 = tpu.memref_slice %arg4[%add3A_17, %dma_start3A, %dma_start3A_36] : memref<45x144x16xf32, #tpu.memory_space<hbm>> -> memref<1x144x16xf32, #tpu.memory_space<hbm>>
        %dma_start3A_38 = tpu.memref_squeeze %dma_start3A_37 : memref<1x144x16xf32, #tpu.memory_space<hbm>> -> memref<144x16xf32, #tpu.memory_space<hbm>>
        %dma_start3A_39 = arith.constant 0 : i32
        %dma_start3A_40 = arith.constant 0 : i32
        %dma_start3A_41 = tpu.memref_slice %arg4[%add3A_17, %dma_start3A_39, %dma_start3A_40] : memref<45x144x16xf32, #tpu.memory_space<hbm>> -> memref<1x144x16xf32, #tpu.memory_space<hbm>>
        %dma_start3A_42 = tpu.memref_squeeze %dma_start3A_41 : memref<1x144x16xf32, #tpu.memory_space<hbm>> -> memref<144x16xf32, #tpu.memory_space<hbm>>
        tpu.enqueue_dma source(%dma_start3A_42 : memref<144x16xf32, #tpu.memory_space<hbm>>) target(%arg10 : memref<144x16xf32, #tpu.memory_space<vmem>>) target_semaphore(%run_scoped3A : memref<!tpu.dma_semaphore, #tpu.memory_space<semaphore_mem>>)
        %dma_wait3A = arith.constant 0 : i32
        %dma_wait3A_43 = arith.constant 0 : i32
        %dma_wait3A_44 = tpu.memref_slice %arg4[%add3A_17, %dma_wait3A, %dma_wait3A_43] : memref<45x144x16xf32, #tpu.memory_space<hbm>> -> memref<1x144x16xf32, #tpu.memory_space<hbm>>
        %dma_wait3A_45 = tpu.memref_squeeze %dma_wait3A_44 : memref<1x144x16xf32, #tpu.memory_space<hbm>> -> memref<144x16xf32, #tpu.memory_space<hbm>>
        %dma_wait3A_46 = arith.constant 0 : i32
        %dma_wait3A_47 = arith.constant 0 : i32
        %dma_wait3A_48 = tpu.memref_slice %arg4[%add3A_17, %dma_wait3A_46, %dma_wait3A_47] : memref<45x144x16xf32, #tpu.memory_space<hbm>> -> memref<1x144x16xf32, #tpu.memory_space<hbm>>
        %dma_wait3A_49 = tpu.memref_squeeze %dma_wait3A_48 : memref<1x144x16xf32, #tpu.memory_space<hbm>> -> memref<144x16xf32, #tpu.memory_space<hbm>>
        tpu.wait_dma2 semaphore(%run_scoped3A : memref<!tpu.dma_semaphore, #tpu.memory_space<semaphore_mem>>) src(%dma_wait3A_49 : memref<144x16xf32, #tpu.memory_space<hbm>>) dst(%arg10 : memref<144x16xf32, #tpu.memory_space<vmem>>)
        tpu.yield
      }) : () -> ()
      "tpu.region"() ({
        %run_scoped3A = tpu.sem_alloc : memref<!tpu.dma_semaphore, #tpu.memory_space<semaphore_mem>>
        %dma_start3A = arith.constant 0 : i32
        %dma_start3A_36 = tpu.memref_slice %arg5[%add3A_17, %dma_start3A] : memref<45x16xf32, #tpu.memory_space<hbm>> -> memref<1x16xf32, #tpu.memory_space<hbm>>
        %dma_start3A_37 = tpu.memref_squeeze %dma_start3A_36 : memref<1x16xf32, #tpu.memory_space<hbm>> -> memref<16xf32, #tpu.memory_space<hbm>>
        %dma_start3A_38 = arith.constant 0 : i32
        %dma_start3A_39 = tpu.memref_slice %arg5[%add3A_17, %dma_start3A_38] : memref<45x16xf32, #tpu.memory_space<hbm>> -> memref<1x16xf32, #tpu.memory_space<hbm>>
        %dma_start3A_40 = tpu.memref_squeeze %dma_start3A_39 : memref<1x16xf32, #tpu.memory_space<hbm>> -> memref<16xf32, #tpu.memory_space<hbm>>
        tpu.enqueue_dma source(%dma_start3A_40 : memref<16xf32, #tpu.memory_space<hbm>>) target(%arg11 : memref<16xf32, #tpu.memory_space<vmem>>) target_semaphore(%run_scoped3A : memref<!tpu.dma_semaphore, #tpu.memory_space<semaphore_mem>>)
        %dma_wait3A = arith.constant 0 : i32
        %dma_wait3A_41 = tpu.memref_slice %arg5[%add3A_17, %dma_wait3A] : memref<45x16xf32, #tpu.memory_space<hbm>> -> memref<1x16xf32, #tpu.memory_space<hbm>>
        %dma_wait3A_42 = tpu.memref_squeeze %dma_wait3A_41 : memref<1x16xf32, #tpu.memory_space<hbm>> -> memref<16xf32, #tpu.memory_space<hbm>>
        %dma_wait3A_43 = arith.constant 0 : i32
        %dma_wait3A_44 = tpu.memref_slice %arg5[%add3A_17, %dma_wait3A_43] : memref<45x16xf32, #tpu.memory_space<hbm>> -> memref<1x16xf32, #tpu.memory_space<hbm>>
        %dma_wait3A_45 = tpu.memref_squeeze %dma_wait3A_44 : memref<1x16xf32, #tpu.memory_space<hbm>> -> memref<16xf32, #tpu.memory_space<hbm>>
        tpu.wait_dma2 semaphore(%run_scoped3A : memref<!tpu.dma_semaphore, #tpu.memory_space<semaphore_mem>>) src(%dma_wait3A_45 : memref<16xf32, #tpu.memory_space<hbm>>) dst(%arg11 : memref<16xf32, #tpu.memory_space<vmem>>)
        tpu.yield
      }) : () -> ()
      "tpu.region"() ({
        %run_scoped3A = tpu.sem_alloc : memref<!tpu.dma_semaphore, #tpu.memory_space<semaphore_mem>>
        %dma_start3A = arith.constant 0 : i32
        %dma_start3A_36 = tpu.memref_slice %arg6[%add3A_17, %dma_start3A] : memref<45x16xf32, #tpu.memory_space<hbm>> -> memref<1x16xf32, #tpu.memory_space<hbm>>
        %dma_start3A_37 = tpu.memref_squeeze %dma_start3A_36 : memref<1x16xf32, #tpu.memory_space<hbm>> -> memref<16xf32, #tpu.memory_space<hbm>>
        %dma_start3A_38 = arith.constant 0 : i32
        %dma_start3A_39 = tpu.memref_slice %arg6[%add3A_17, %dma_start3A_38] : memref<45x16xf32, #tpu.memory_space<hbm>> -> memref<1x16xf32, #tpu.memory_space<hbm>>
        %dma_start3A_40 = tpu.memref_squeeze %dma_start3A_39 : memref<1x16xf32, #tpu.memory_space<hbm>> -> memref<16xf32, #tpu.memory_space<hbm>>
        tpu.enqueue_dma source(%dma_start3A_40 : memref<16xf32, #tpu.memory_space<hbm>>) target(%arg12 : memref<16xf32, #tpu.memory_space<vmem>>) target_semaphore(%run_scoped3A : memref<!tpu.dma_semaphore, #tpu.memory_space<semaphore_mem>>)
        %dma_wait3A = arith.constant 0 : i32
        %dma_wait3A_41 = tpu.memref_slice %arg6[%add3A_17, %dma_wait3A] : memref<45x16xf32, #tpu.memory_space<hbm>> -> memref<1x16xf32, #tpu.memory_space<hbm>>
        %dma_wait3A_42 = tpu.memref_squeeze %dma_wait3A_41 : memref<1x16xf32, #tpu.memory_space<hbm>> -> memref<16xf32, #tpu.memory_space<hbm>>
        %dma_wait3A_43 = arith.constant 0 : i32
        %dma_wait3A_44 = tpu.memref_slice %arg6[%add3A_17, %dma_wait3A_43] : memref<45x16xf32, #tpu.memory_space<hbm>> -> memref<1x16xf32, #tpu.memory_space<hbm>>
        %dma_wait3A_45 = tpu.memref_squeeze %dma_wait3A_44 : memref<1x16xf32, #tpu.memory_space<hbm>> -> memref<16xf32, #tpu.memory_space<hbm>>
        tpu.wait_dma2 semaphore(%run_scoped3A : memref<!tpu.dma_semaphore, #tpu.memory_space<semaphore_mem>>) src(%dma_wait3A_45 : memref<16xf32, #tpu.memory_space<hbm>>) dst(%arg12 : memref<16xf32, #tpu.memory_space<vmem>>)
        tpu.yield
      }) : () -> ()
      %broadcast_in_dim3A_18 = arith.constant 0.000000e+00 : f32
      %broadcast_in_dim3A_19 = vector.broadcast %broadcast_in_dim3A_18 : f32 to vector<16xf32>
      %scan3A_20 = arith.constant 0 : i32
      %scan3A_21 = arith.constant 144 : i32
      %scan3A_22 = arith.addi %scan3A_20, %scan3A_21 : i32
      %scan3A_23 = arith.constant 1 : i32
      %scan3A_24 = scf.for %scan3A_36 = %scan3A_20 to %scan3A_22 step %scan3A_23 iter_args(%scan3A_37 = %broadcast_in_dim3A_19) -> (vector<16xf32>)  : i32 {
        %get3A_38 = arith.index_cast %scan3A_36 : i32 to index
        %get3A_39 = arith.constant 0 : index
        %get3A_40 = tpu.vector_load %arg9[%get3A_38, %get3A_39] {strides = array<i32>} : memref<144x16xi32, #tpu.memory_space<vmem>>, vector<16xi32>,
        %gather3A = tpu.vector_load_idx %arg8[%get3A_40] : memref<65536xf32, #tpu.memory_space<vmem>>[vector<16xi32>], vector<16xf32>,
        %div3A = arith.constant 1.000000e+00 : f32
        %div3A_41 = vector.broadcast %div3A : f32 to vector<16xf32>
        %div3A_42 = arith.divf %div3A_41, %gather3A : vector<16xf32>
        %mul3A_43 = arith.mulf %gather3A, %div3A_42 : vector<16xf32>
        %sub3A_44 = arith.constant 2.000000e+00 : f32
        %sub3A_45 = vector.broadcast %sub3A_44 : f32 to vector<16xf32>
        %sub3A_46 = arith.subf %sub3A_45, %mul3A_43 : vector<16xf32>
        %mul3A_47 = arith.mulf %div3A_42, %sub3A_46 : vector<16xf32>
        %get3A_48 = arith.index_cast %scan3A_36 : i32 to index
        %get3A_49 = arith.constant 0 : index
        %get3A_50 = tpu.vector_load %arg10[%get3A_48, %get3A_49] {strides = array<i32>} : memref<144x16xf32, #tpu.memory_space<vmem>>, vector<16xf32>,
        %mul3A_51 = arith.mulf %get3A_50, %mul3A_47 : vector<16xf32>
        %add3A_52 = arith.addf %scan3A_37, %mul3A_51 : vector<16xf32>
        scf.yield %add3A_52 : vector<16xf32>
      }
      %scan3A_25 = arith.constant 144 : i32
      %get3A_26 = arith.constant 0 : index
      %get3A_27 = tpu.vector_load %arg11[%get3A_26] {strides = array<i32>} : memref<16xf32, #tpu.memory_space<vmem>>, vector<16xf32>,
      %get3A_28 = arith.constant 0 : index
      %get3A_29 = tpu.vector_load %arg12[%get3A_28] {strides = array<i32>} : memref<16xf32, #tpu.memory_space<vmem>>, vector<16xf32>,
      %mul3A_30 = arith.mulf %get3A_29, %scan3A_24 : vector<16xf32>
      %sub3A_31 = arith.subf %get3A_27, %mul3A_30 : vector<16xf32>
      %swap3A_32 = arith.constant 0 : index
      %swap3A_33 = tpu.vector_load %arg13[%swap3A_32] {strides = array<i32>} : memref<16xf32, #tpu.memory_space<vmem>>, vector<16xf32>,
      tpu.vector_store %arg13[%swap3A_32], %sub3A_31 {strides = array<i32>} : memref<16xf32, #tpu.memory_space<vmem>>, vector<16xf32>,
      %mul3A_34 = arith.constant 16 : i32
      %mul3A_35 = arith.muli %add3A_17, %mul3A_34 : i32
      "tpu.region"() ({
        %run_scoped3A = tpu.sem_alloc : memref<!tpu.dma_semaphore, #tpu.memory_space<semaphore_mem>>
        %dma_start3A = tpu.memref_slice %arg7[%mul3A_35] : memref<720xf32, #tpu.memory_space<hbm>> -> memref<16xf32, #tpu.memory_space<hbm>>
        %dma_start3A_36 = tpu.memref_slice %arg7[%mul3A_35] : memref<720xf32, #tpu.memory_space<hbm>> -> memref<16xf32, #tpu.memory_space<hbm>>
        tpu.enqueue_dma source(%arg13 : memref<16xf32, #tpu.memory_space<vmem>>) target(%dma_start3A_36 : memref<16xf32, #tpu.memory_space<hbm>>) target_semaphore(%run_scoped3A : memref<!tpu.dma_semaphore, #tpu.memory_space<semaphore_mem>>)
        %dma_wait3A = tpu.memref_slice %arg7[%mul3A_35] : memref<720xf32, #tpu.memory_space<hbm>> -> memref<16xf32, #tpu.memory_space<hbm>>
        %dma_wait3A_37 = tpu.memref_slice %arg7[%mul3A_35] : memref<720xf32, #tpu.memory_space<hbm>> -> memref<16xf32, #tpu.memory_space<hbm>>
        tpu.wait_dma2 semaphore(%run_scoped3A : memref<!tpu.dma_semaphore, #tpu.memory_space<semaphore_mem>>) src(%arg13 : memref<16xf32, #tpu.memory_space<vmem>>) dst(%dma_wait3A_37 : memref<16xf32, #tpu.memory_space<hbm>>)
        tpu.yield
      }) : () -> ()
    } else {
    }
    return
  }
}

</mosaic_0001>

<sc_bundles>
// kernel: kernel.3.cloned.1.call-start
scs
__scs_entry_jumppad:
0x0: {  	(pc) =	sbr.rel $0x88, $3  }
0x1: {  	(tag) =	ssettag $0x0;
	lr =	simm.s32 $0x1  }
0x2: {  	[smem:$0x3FA0] =	sst lr;
	_ =	strace $0xD0000000  }
0x3: {  	_ = 	snop  }
0x4: {  	_ = 	snop  }
0x5: {  	_ = 	snop  }
0x6: {  	_ = 	snop  }
0x7: {  	_ = 	snop  }
__scs_overlays_trampoline_lowered:
0x8: {  	[smem:$0x3FAF] =	sst s0  }
0x9: {  	[smem:$0x3FB0] =	sst s1  }
0xa: {  	[smem:$0x3FB1] =	sst s2  }
0xb: {  	[smem:$0x3FB2] =	sst s3  }
0xc: {  	[smem:$0x3FB3] =	sst s4  }
0xd: {  	[smem:$0x3FB4] =	sst s5  }
0xe: {  	[smem:$0x3FB5] =	sst s6  }
0xf: {  	[smem:$0x3FB6] =	sst s7  }
0x10: {  	[smem:$0x3FB7] =	sst s8  }
0x11: {  	[smem:$0x3FB8] =	sst s9;
	s0 =	simm.s32 @!p0 $0x0  }
0x12: {  	s1 =	sld [smem:$0x3F9E];
	s0 =	simm.s32 @p0 $0x1  }
0x13: {  	[smem:$0x3FB9] =	sst s0;
	s0 =	simm.s32 @!p1 $0x0  }
0x14: {  	s2 =	sld [smem:$0x3F9D];
	s0 =	simm.s32 @p1 $0x1  }
0x15: {  	[smem:$0x3FBA] =	sst s0;
	s0 =	simm.s32 @!p2 $0x0  }
0x16: {  	s3 =	sld [smem:$0x3FDB];
	s0 =	simm.s32 @p2 $0x1  }
0x17: {  	s4 =	simm.s32 $0x1BF5;
	[smem:$0x3FBC] =	sst s0  }
0x18: {  	s0 =	sld [smem:$0x3F9F];
	_ =	swait.ge [sflag:s4], $0x0  }
0x19: {  	s7 =	sld [smem:$0x3FA0]  }
0x1a: {  	s8 =	sadd.s32 $0xFFFFE003, lr  }
0x1b: {  	s9 =	sadd.s32 $0xFFFFFEF7, lr;
	s5 =	simm.s32 $0xFFFFFFFF;
	p2 =	slt.u32 s8, $0xFFFFF086  }
0x1c: {  	p1 =	slt.u32 s9, $0xF7A;
	s5 =	simm.s32 @!p2 $0x0  }
0x1d: {  	s5 =	simm.s32 @p1 $0x1;
	p0 =	seq.s32 s7, s2  }
0x1e: {  	s7 =	smul.u32 @!p0 $0xF7A, s2;
	p2 =	seq.s32 @!p0 s5, $0x0  }
0x1f: {  	s9 =	smul.u32 $0xF7A, s1;
	s8 =	simm.s32 @!p0 $0x1BF5;
	p2 =	por !p2, p0  }
0x20: {  	[sflag:s8] =	ssyncset.s32 @!p0 $0xFFFFF086;
	s6 =	sadd.s32 @!p0 s3, s7;
	s7 =	simm.s32 @!p0 $0x108  }
0x21: {  	s3 =	sadd.s32 s3, s9;
	s6 =	sadd.s32 @!p0 $0x88, s6;
	s7 =	simm.s32 @p2 $0x1082  }
0x22: {  	[simem:s7], [sflag:s8] =	dma.local @!p0 [hbm:s6], $0xF7A  }
0x23: {  	s9 =	sor.u32 $0xD0000000, s2;
	s6 =	simm.s32 $0x108;
	_ =	swait.ge @!p0 [sflag:s8], $0x0  }
0x24: {  	s3 =	sadd.s32 $0x88, s3;
	s6 =	simm.s32 @!p1 $0x1082;
	[sflag:s4] =	ssyncset.s32 $0xFFFFF086  }
0x25: {  	[simem:s6], [sflag:s4] =	dma.local [hbm:s3], $0xF7A  }
0x26: {  	[smem:$0x3FA0] =	sst s1;
	(tag) =	ssettag s2;
	_ =	strace s9  }
0x27: {  	s1 =	sld [smem:$0x3FB0]  }
0x28: {  	s2 =	sld [smem:$0x3FB1]  }
0x29: {  	s4 =	sld [smem:$0x3FB3]  }
0x2a: {  	p0 =	seq.s32 s5, $0x0;
	s5 =	sld [smem:$0x3FB4]  }
0x2b: {  	s6 =	sld [smem:$0x3FB5]  }
0x2c: {  	s7 =	sld [smem:$0x3FB6]  }
0x2d: {  	s3 =	simm.s32 $0x108;
	s8 =	sld [smem:$0x3FB7]  }
0x2e: {  	s3 =	simm.s32 @!p0 $0x1082;
	s9 =	sld [smem:$0x3FB8]  }
0x2f: {  	lr =	sadd.s32 s0, s3;
	s0 =	sld [smem:$0x3FAF]  }
0x30: {  	s3 =	sld [smem:$0x3FB2]  }
0x31: {  	[smem:$0x3FBB] =	sst s10  }
0x32: {  	s10 =	sld [smem:$0x3FB9];
	_ =	sdelay $0x3  }
0x33: {  	p0 =	seq.s32 s10, $0x1;
	s10 =	sld [smem:$0x3FBB];
	_ =	sdelay $0x3  }
0x34: {  	[smem:$0x3FBB] =	sst s10  }
0x35: {  	s10 =	sld [smem:$0x3FBA];
	_ =	sdelay $0x3  }
0x36: {  	p1 =	seq.s32 s10, $0x1;
	s10 =	sld [smem:$0x3FBB];
	_ =	sdelay $0x3  }
0x37: {  	[smem:$0x3FBB] =	sst s10  }
0x38: {  	s10 =	sld [smem:$0x3FBC]  }
0x39: {  	_ = 	snop;
	(pc) =	sbr.ind lr, $3  }
0x3a: {  	_ = 	snop  }
0x3b: {  	_ = 	snop  }
0x3c: {  	p2 =	seq.s32 s10, $0x1;
	s10 =	sld [smem:$0x3FBB]  }
0x3d: {  	_ =	shalt  }
0x3e: {  	_ =	shalt  }
0x3f: {  	_ =	shalt  }
0x40: {  	_ =	shalt  }
0x41: {  	_ =	shalt  }
0x42: {  	_ =	shalt  }
0x43: {  	_ =	shalt  }
0x44: {  	_ =	shalt  }
0x45: {  	_ =	shalt  }
0x46: {  	_ =	shalt  }
0x47: {  	_ =	shalt  }
0x48: {  	_ =	shalt  }
0x49: {  	_ =	shalt  }
0x4a: {  	_ =	shalt  }
0x4b: {  	_ =	shalt  }
0x4c: {  	_ =	shalt  }
0x4d: {  	_ =	shalt  }
0x4e: {  	_ =	shalt  }
0x4f: {  	_ =	shalt  }
0x50: {  	_ =	shalt  }
0x51: {  	_ =	shalt  }
0x52: {  	_ =	shalt  }
0x53: {  	_ =	shalt  }
0x54: {  	_ =	shalt  }
0x55: {  	_ =	shalt  }
0x56: {  	_ =	shalt  }
0x57: {  	_ =	shalt  }
0x58: {  	_ =	shalt  }
0x59: {  	_ =	shalt  }
0x5a: {  	_ =	shalt  }
0x5b: {  	_ =	shalt  }
0x5c: {  	_ =	shalt  }
0x5d: {  	_ =	shalt  }
0x5e: {  	_ =	shalt  }
0x5f: {  	_ =	shalt  }
0x60: {  	_ =	shalt  }
0x61: {  	_ =	shalt  }
0x62: {  	_ =	shalt  }
0x63: {  	_ =	shalt  }
0x64: {  	_ =	shalt  }
0x65: {  	_ =	shalt  }
0x66: {  	_ =	shalt  }
0x67: {  	_ =	shalt  }
0x68: {  	_ =	shalt  }
0x69: {  	_ =	shalt  }
0x6a: {  	_ =	shalt  }
0x6b: {  	_ =	shalt  }
0x6c: {  	_ =	shalt  }
0x6d: {  	_ =	shalt  }
0x6e: {  	_ =	shalt  }
0x6f: {  	_ =	shalt  }
0x70: {  	_ =	shalt  }
0x71: {  	_ =	shalt  }
0x72: {  	_ =	shalt  }
0x73: {  	_ =	shalt  }
0x74: {  	_ =	shalt  }
0x75: {  	_ =	shalt  }
0x76: {  	_ =	shalt  }
0x77: {  	_ =	shalt  }
0x78: {  	_ =	shalt  }
0x79: {  	_ =	shalt  }
0x7a: {  	_ =	shalt  }
0x7b: {  	_ =	shalt  }
0x7c: {  	_ =	shalt  }
0x7d: {  	_ =	shalt  }
0x7e: {  	_ =	shalt  }
0x7f: {  	_ =	shalt  }
0x80: {  	_ =	shalt  }
0x81: {  	_ =	shalt  }
0x82: {  	_ =	shalt  }
0x83: {  	_ =	shalt  }
0x84: {  	_ =	shalt  }
0x85: {  	_ =	shalt  }
0x86: {  	_ =	shalt  }
0x87: {  	_ =	shalt  }
.Lfunc_end0:
.L_simem_size_0:
called_computation_lowered:
.L_overlay_start_0:
0x88: {  	s2 =	sld [smem:$0x3FD9]  }
0x89: {  	s3 =	sld [smem:$0x3FFE];
	_ =	sdelay $0x1  }
0x8a: {  	s1 =	srdreg.scid  }
0x8b: {  	s0 =	sand.u32 $0x1, s1  }
0x8c: {  	s16 =	sshll.u32 s0, $0xA;
	s2 =	sadd.s32 s3, s2  }
0x8d: {  	s2 =	sadd.s32 s2, s16  }
0x8e: {  	[smem:$0x3FC7] =	sst s2  }
0x8f: {  	_ = 	snop  }
0x90: {  	(tm) =	ssettm $0x1  }
0x91: {  	s17 =	sld [smem:$0x3FFB];
	_ =	sdelay $0x3  }
0x92: {  	_ =	strace s17  }
0x93: {  	s2 =	sld [smem:$0x3FFC];
	_ =	sdelay $0x3  }
0x94: {  	_ =	strace s2  }
0x95: {  	s2 =	sld [smem:$0x3FFD];
	_ =	sdelay $0x3  }
0x96: {  	_ =	strace s2  }
0x97: {  	_ =	strace $0x8FFFFFFF  }
0x98: {  	s18 =	sld [smem:$0x3FDB];
	_ =	sdelay $0x1  }
0x99: {  	s19 =	simm.s32 $_scs_section_size  }
0x9a: {  	s4 =	simm.s32 $_size__tile_overlayer_lowered;
	s5 =	simm.s32 $_tile_overlayer_lowered  }
0x9b: {  	s22 =	simm.s32 $0x1BFF;
	s21 =	sshll.u32 s5, $0x1;
	s2 =	sadd.s32 s19, s18  }
0x9c: {  	s6 =	simm.s32 $0x0;
	s20 =	sshll.u32 s4, $0x1;
	s4 =	sadd.s32 s21, s2  }
0x9d: {  	[timem:s6], [sflag:s22] =	dma.local [hbm:s4], s20  }
0x9e: {  	_ =	swait.ge [sflag:s22], s20  }
0x9f: {  	s3 =	ssub.s32 $0x0, s20;
	[sflag:s22] =	ssyncset.done $0x0  }
0xa0: {  	[sflag:s22] =	ssyncadd.s32 s3;
	_ =	sdelay $0x1  }
0xa1: {  	s23 =	simm.s32 $0x1B8B  }
0xa2: {  	_ =	swait.ge [sflag:s23], $0x1  }
0xa3: {  	[sflag:s23] =	ssyncset.done $0x0  }
0xa4: {  	s25 =	simm.s32 $0x1B8E;
	s24 =	sld [smem:$0x3FFE];
	[sflag:s23] =	ssyncadd.s32 $0xFFFFFFFF  }
0xa5: {  	s26 =	simm.s32 $execute0_lowered;
	[smem:$0x3FD2] =	sst s25  }
0xa6: {  	s4 =	sshll.u32 s26, $0x1;
	_ =	strace $0x80000046;
	[dreg:$0x1] =	wrdreg $0xFFFFFFFF  }
0xa7: {  	s28 =	simm.s32 $_size_execute0_lowered;
	s2 =	sadd.s32 s2, s4;
	[dreg:$0x0] =	wrdreg $0x0  }
0xa8: {  	s4 =	sshll.u32 s28, $0x1;
	[dreg:$0x2] =	wrdreg s2  }
0xa9: {  	[dreg:$0x3] =	wrdreg s4  }
0xaa: {  	[dreg:$0x4] =	wrdreg $0xC0  }
0xab: {  	_ =	task [dreg:s6], $0x5FFFF  }
0xac: {  	[dreg:$0x1] =	wrdreg $0xFFFFFFFF  }
0xad: {  	[dreg:$0x0] =	wrdreg $0x60  }
0xae: {  	[dreg:$0x2] =	wrdreg s24  }
0xaf: {  	[dreg:$0x3] =	wrdreg $0x9  }
0xb0: {  	_ =	task.clear_ibuf [dreg:s6], $0x4FFFF;
	_ =	strace $0x90000046  }
0xb1: {  	s29 =	simm.s32 $0x9;
	_ =	strace $0x80000048  }
0xb2: {  	_ =	swait.ge [sflag:s29], $0x1  }
0xb3: {  	[sflag:s29] =	ssyncadd.s32 $0xFFFFFFFF  }
0xb4: {  	_ =	strace $0x90000048  }
0xb5: {  	_ =	sfence  }
0xb6: {  	s30 =	sld [smem:$0x0];
	_ =	sdelay $0x2  }
0xb7: {  	s31 =	sshll.u32 s1, $0xD;
	s1 =	sshrl.u32 s1, $0x2  }
0xb8: {  	s3 =	sand.u32 $0x4000, s31;
	s1 =	sadd.s32 s1, s30  }
0xb9: {  	s0 =	sor.u32 s3, s0;
	s1 =	sshll.u32 s1, $0x11  }
0xba: {  	s0 =	sor.u32 s1, s0  }
0xbb: {  	s0 =	sadd.s32 $0x8F2B, s0  }
0xbc: {  	[sflag:s0] =	ssyncadd.remote.s32 $0x1  }
0xbd: {  	_ =	sfence.sel $0xFFFF  }
0xbe: {  	[dreg:$0x0] =	wrdreg $0xFFFFFFFF;
	(pc) =	sbr.abs _section_cstart, $3  }
0xbf: {  	[dreg:$0x1] =	wrdreg $0xFFFFFFFF  }
0xc0: {  	_ =	task.clear_ibuf [dreg:s6], $0x2FFFF;
	_ =	strace $0x9FFFFFFF  }
0xc1: {  	(tm) =	ssettm $0x7FFFFFFF  }
tec
execute0_lowered:
.L_overlay_start_1:
0x0: {  	(tag) =	ssettag $0x1  }
0x1: {  	s4 =	rddreg [dreg:$0x0]  }
0x2: {  	s0 =	rddreg [dreg:$0x1];
	s2 =	simm.s32 $0x0;
	s3 =	srdreg.scid  }
0x3: {  	s1 =	stileid.u32;
	s19 =	simm.s32 $0x19080;
	s21 =	simm.s32 $0x0  }
0x4: {  	[smem:$0x7FF] =	sst s2;
	s5 =	sand.u32 $0x1, s3;
	s6 =	sshll.u32 s1, $0x1  }
0x5: {  	s3 =	sadd.s32 $0xA00, s4;
	s9 =	sadd.s32 $0x2A00, s4;
	s10 =	sadd.s32 $0x1C000, s4  }
0x6: {  	s11 =	sadd.s32 $0x35600, s4;
	s12 =	sadd.s32 $0x35A00, s4;
	s13 =	sadd.s32 $0x35E00, s4  }
0x7: {  	_ =	strace $0x80000047;
	s20 =	sor.u32 s5, s6;
	s5 =	ssub.s32 $0x2, s5  }
0x8: {  	s6 =	smul.u32 $0x900, s20;
	s7 =	sshrl.u32 s5, $0x1;
	s31 =	sshll.u32 s20, $0x4  }
0x9: {  	s15 =	sor.u32 $0x20, s20;
	s8 =	sshll.u32 s20, $0x1;
	p0 =	sgt.u32 s20, $0xC  }
0xa: {  	s20 =	simm.s32 $0x19100;
	s14 =	ssub.s32 s5, s7;
	s16 =	sand.u32 $0x70, s31  }
0xb: {  	s17 =	smul.u32 $0x900, s15;
	s7 =	sadd.s32 s12, s31;
	s18 =	sshll.u32 s15, $0x4  }
0xc: {  	s8 =	sadd.s32 s13, s8;
	s15 =	sshll.u32 s15, $0x1;
	s4 =	sadd.s32 s9, s6  }
.Ltmp0:
0xd: {  	s5 =	sadd.s32 s10, s6;
	s6 =	sadd.s32 s11, s31;
	(pc) =	sbr.rel .LBB2_1-.Ltmp0, $4  }
0xe: {  	s18 =	sand.u32 $0x280, s18;
	s13 =	sadd.s32 s13, s15;
	s14 =	smax.u32 s14, $0x1  }
0xf: {  	s15 =	simm.s32 $0x1;
	s9 =	sadd.s32 s9, s17;
	s10 =	sadd.s32 s10, s17  }
0x10: {  	s16 =	sor.u32 s16, s18;
	s17 =	simm.s32 $0x14800;
	s18 =	simm.s32 $0x19000  }
0x11: {  	s11 =	sadd.s32 s11, s16;
	s12 =	sadd.s32 s12, s16;
	s16 =	simm.s32 $0x10000  }
.LBB2_6:
0x12: {  	v6 =	vld [tilespmem:s24+$0x10000];
	_ =	sdelay $0x7  }
0x13: {  	v6 =	vld.idx.msk [tilespmem:v6+s2+$0x0], $0xffff;
	_ =	sdelay $0x2  }
0x14: {  	(erf) = vrcp.f32 v4;
	_ =	sdelay $0x1  }
0x15: {  	(erf) = vrcp.f32 v6;
	_ =	sdelay $0x4  }
0x16: {  	v7 =	vpop (erf)  }
0x17: {  	v1 =	vmul.f32 v7, v1  }
0x18: {  	v2 =	vmul.f32 v5, v2;
	v54 =	vld [tilespmem:s23+$0x14800];
	v8 =	vpop (erf)  }
0x19: {  	v1 =	vsub.f32 $2.000000000e+00, v1;
	v55 =	vmul.f32 v8, v4  }
0x1a: {  	v56 =	vld [tilespmem:s22+$0x14800];
	v2 =	vmul.f32 v2, v3;
	v9 =	vpop (erf)  }
0x1b: {  	v1 =	vmul.f32 v1, v7;
	v4 =	vsub.f32 $2.000000000e+00, v55;
	v6 =	vmul.f32 v9, v6  }
0x1c: {  	v57 =	vld [tilespmem:s24+$0x14800];
	v0 =	vadd.f32 v2, v0  }
0x1d: {  	v1 =	vmul.f32 v1, v54;
	v4 =	vmul.f32 v4, v8;
	v58 =	vsub.f32 $2.000000000e+00, v6;
	_ =	sdelay $0x1  }
0x1e: {  	v0 =	vadd.f32 v1, v0;
	v59 =	vmul.f32 v4, v56;
	v60 =	vmul.f32 v58, v9  }
0x1f: {  	v61 =	vld [tilespmem:$0x19080]  }
0x20: {  	v0 =	vadd.f32 v59, v0;
	v62 =	vmul.f32 v60, v57  }
0x21: {  	v63 =	vld [tilespmem:$0x19000]  }
0x22: {  	v0 =	vadd.f32 v62, v0;
	_ =	sdelay $0x1  }
0x23: {  	v0 =	vmul.f32 v61, v0;
	_ =	sdelay $0x1  }
0x24: {  	v0 =	vsub.f32 v63, v0;
	_ =	sdelay $0x1  }
0x25: {  	[tilespmem:$0x19100] =	vst v0  }
0x26: {  	[hbm4b:s13+s2] =	stream.linear.scatter [tilespmem:s20], [sflag:$0x1], $0x10, $0x38;
	[tilespmem:$0x19180] =	vst v63  }
0x27: {  	_ =	swait.ge [sflag:s15], $0x10  }
0x28: {  	[sflag:s15] =	ssyncset.done $0x0  }
0x29: {  	[sflag:s15] =	ssyncadd.s32 $0xFFFFFFF0  }
.LBB2_7:
0x2a: {  	s21 =	sadd.s32 $0x1, s21  }
0x2b: {  	p1 =	sne.s32 s21, s14  }
.Ltmp1:
0x2c: {  	_ = 	snop;
	(pc) =	sbr.rel @!p1 .LBB2_8-.Ltmp1, $1  }
0x2d: {  	_ =	sdelay $0x3  }
.LBB2_1:
0x2e: {  	[tilespmem:s2], [sflag:$0x1] =	stream.linear.gather [hbm4b:s3+s2], $0x10000, $0x38;
	[tilespmem:$0x19180] =	vst v63  }
0x2f: {  	_ =	swait.ge [sflag:s15], $0x10000  }
0x30: {  	[sflag:s15] =	ssyncset.done $0x0  }
0x31: {  	[sflag:s15] =	ssyncadd.s32 $0xFFFF0000  }
0x32: {  	[tilespmem:s16], [sflag:$0x1] =	stream.linear.gather [hbm4b:s4+s2], $0x4800, $0x38;
	[tilespmem:$0x19180] =	vst v63  }
0x33: {  	_ =	swait.ge [sflag:s15], $0x4800  }
0x34: {  	[sflag:s15] =	ssyncset.done $0x0  }
0x35: {  	[sflag:s15] =	ssyncadd.s32 $0xFFFFB800  }
0x36: {  	[tilespmem:s17], [sflag:$0x1] =	stream.linear.gather [hbm4b:s5+s2], $0x4800, $0x38;
	[tilespmem:$0x19180] =	vst v63  }
0x37: {  	_ =	swait.ge [sflag:s15], $0x4800  }
0x38: {  	[sflag:s15] =	ssyncset.done $0x0  }
0x39: {  	[sflag:s15] =	ssyncadd.s32 $0xFFFFB800  }
0x3a: {  	[tilespmem:s18], [sflag:$0x1] =	stream.linear.gather [hbm4b:s6+s2], $0x80, $0x38;
	[tilespmem:$0x19180] =	vst v63  }
0x3b: {  	_ =	swait.ge [sflag:s15], $0x80  }
0x3c: {  	[sflag:s15] =	ssyncset.done $0x0  }
0x3d: {  	[sflag:s15] =	ssyncadd.s32 $0xFFFFFF80  }
0x3e: {  	[tilespmem:s19], [sflag:$0x1] =	stream.linear.gather [hbm4b:s7+s2], $0x80, $0x38;
	[tilespmem:$0x19180] =	vst v63  }
0x3f: {  	_ =	swait.ge [sflag:s15], $0x80  }
0x40: {  	[sflag:s15] =	ssyncset.done $0x0  }
0x41: {  	s24 =	simm.s32 $0x0;
	[sflag:s15] =	ssyncadd.s32 $0xFFFFFF80  }
0x42: {  	v0 =	vld [tilespmem:s24+$0x10000];
	_ =	sdelay $0x7  }
0x43: {  	s23 =	simm.s32 $0x80;
	v0 =	vld.idx.msk [tilespmem:v0+s2+$0x0], $0xffff  }
0x44: {  	v1 =	vld [tilespmem:s23+$0x10000];
	_ =	sdelay $0x3  }
0x45: {  	(erf) = vrcp.f32 v0;
	_ =	sdelay $0x1  }
0x46: {  	s22 =	simm.s32 $0x100  }
0x47: {  	v4 =	vld [tilespmem:s22+$0x10000]  }
0x48: {  	v1 =	vld.idx.msk [tilespmem:v1+s2+$0x0], $0xffff;
	_ =	sdelay $0x4  }
0x49: {  	v2 =	vpop (erf);
	(erf) = vrcp.f32 v1  }
0x4a: {  	v5 =	vmul.f32 v2, v0  }
0x4b: {  	v3 =	vld [tilespmem:s24+$0x14800]  }
0x4c: {  	s25 =	simm.s32 $0x800;
	s24 =	simm.s32 $0x180;
	v4 =	vld.idx.msk [tilespmem:v4+s2+$0x0], $0xffff;
	v0 =	vimm.f32 $0.0e+00;
	v5 =	vsub.f32 $2.000000000e+00, v5  }
.LBB2_2:
0x4d: {  	p1 =	sne.s32 s25, $0x11E00;
	v6 =	vld [tilespmem:s24+$0x10000]  }
0x4e: {  	v2 =	vmul.f32 v5, v2;
	_ =	sdelay $0x1  }
0x4f: {  	v3 =	vmul.f32 v2, v3  }
.Ltmp2:
0x50: {  	(pc) =	sbr.rel @p1 .LBB2_2-.Ltmp2, $4  }
0x51: {  	(erf) = vrcp.f32 v4;
	v2 =	vpop (erf);
	v0 =	vadd.f32 v3, v0  }
0x52: {  	v5 =	vmul.f32 v2, v1;
	v1 =	vmov v4  }
0x53: {  	v3 =	vld [tilespmem:s23+$0x14800];
	s23 =	smov.u32 s22;
	s22 =	smov.u32 s24  }
0x54: {  	s24 =	sshra.s32 s25, $0x2;
	s25 =	sadd.s32 $0x200, s25;
	v4 =	vld.idx.msk [tilespmem:v6+s2+$0x0], $0xffff;
	v5 =	vsub.f32 $2.000000000e+00, v5  }
0x55: {  	v6 =	vld [tilespmem:s24+$0x10000];
	_ =	sdelay $0x7  }
0x56: {  	v6 =	vld.idx.msk [tilespmem:v6+s2+$0x0], $0xffff;
	_ =	sdelay $0x2  }
0x57: {  	(erf) = vrcp.f32 v4;
	_ =	sdelay $0x1  }
0x58: {  	(erf) = vrcp.f32 v6;
	_ =	sdelay $0x4  }
0x59: {  	v7 =	vpop (erf)  }
0x5a: {  	v1 =	vmul.f32 v7, v1  }
0x5b: {  	v54 =	vld [tilespmem:s23+$0x14800];
	v2 =	vmul.f32 v5, v2;
	v8 =	vpop (erf)  }
0x5c: {  	v1 =	vsub.f32 $2.000000000e+00, v1;
	v55 =	vmul.f32 v8, v4  }
0x5d: {  	v56 =	vld [tilespmem:s22+$0x14800];
	v2 =	vmul.f32 v2, v3;
	v9 =	vpop (erf)  }
0x5e: {  	v1 =	vmul.f32 v1, v7;
	v4 =	vsub.f32 $2.000000000e+00, v55;
	v6 =	vmul.f32 v9, v6  }
0x5f: {  	v57 =	vld [tilespmem:s24+$0x14800];
	v0 =	vadd.f32 v2, v0  }
0x60: {  	v1 =	vmul.f32 v1, v54;
	v4 =	vmul.f32 v4, v8;
	v58 =	vsub.f32 $2.000000000e+00, v6;
	_ =	sdelay $0x1  }
0x61: {  	v0 =	vadd.f32 v1, v0;
	v59 =	vmul.f32 v4, v56;
	v60 =	vmul.f32 v58, v9  }
0x62: {  	v61 =	vld [tilespmem:$0x19080]  }
0x63: {  	v0 =	vadd.f32 v59, v0;
	v62 =	vmul.f32 v60, v57  }
0x64: {  	v63 =	vld [tilespmem:$0x19000]  }
0x65: {  	v0 =	vadd.f32 v62, v0;
	_ =	sdelay $0x1  }
0x66: {  	v0 =	vmul.f32 v61, v0;
	_ =	sdelay $0x1  }
0x67: {  	v0 =	vsub.f32 v63, v0;
	_ =	sdelay $0x1  }
.Ltmp3:
0x68: {  	[tilespmem:$0x19100] =	vst v0;
	(pc) =	sbr.rel @p0 .LBB2_7-.Ltmp3, $4  }
0x69: {  	[hbm4b:s8+s2] =	stream.linear.scatter [tilespmem:s20], [sflag:$0x1], $0x10, $0x38;
	[tilespmem:$0x19180] =	vst v63  }
0x6a: {  	_ =	swait.ge [sflag:s15], $0x10  }
0x6b: {  	[sflag:s15] =	ssyncset.done $0x0  }
0x6c: {  	[sflag:s15] =	ssyncadd.s32 $0xFFFFFFF0  }
0x6d: {  	s22 =	simm.s32 $0x0  }
0x6e: {  	[tilespmem:s16], [sflag:$0x1] =	stream.linear.gather [hbm4b:s9+s22], $0x4800, $0x38;
	[tilespmem:$0x19180] =	vst v63  }
0x6f: {  	_ =	swait.ge [sflag:s15], $0x4800  }
0x70: {  	[sflag:s15] =	ssyncset.done $0x0  }
0x71: {  	[sflag:s15] =	ssyncadd.s32 $0xFFFFB800  }
0x72: {  	[tilespmem:s17], [sflag:$0x1] =	stream.linear.gather [hbm4b:s10+s22], $0x4800, $0x38;
	[tilespmem:$0x19180] =	vst v63  }
0x73: {  	_ =	swait.ge [sflag:s15], $0x4800  }
0x74: {  	[sflag:s15] =	ssyncset.done $0x0  }
0x75: {  	[sflag:s15] =	ssyncadd.s32 $0xFFFFB800  }
0x76: {  	[tilespmem:s18], [sflag:$0x1] =	stream.linear.gather [hbm4b:s11+s22], $0x80, $0x38;
	[tilespmem:$0x19180] =	vst v63  }
0x77: {  	_ =	swait.ge [sflag:s15], $0x80  }
0x78: {  	[sflag:s15] =	ssyncset.done $0x0  }
0x79: {  	[sflag:s15] =	ssyncadd.s32 $0xFFFFFF80  }
0x7a: {  	[tilespmem:s19], [sflag:$0x1] =	stream.linear.gather [hbm4b:s12+s22], $0x80, $0x38;
	[tilespmem:$0x19180] =	vst v63  }
0x7b: {  	_ =	swait.ge [sflag:s15], $0x80  }
0x7c: {  	[sflag:s15] =	ssyncset.done $0x0  }
0x7d: {  	s24 =	simm.s32 $0x0;
	[sflag:s15] =	ssyncadd.s32 $0xFFFFFF80  }
0x7e: {  	v0 =	vld [tilespmem:s24+$0x10000];
	_ =	sdelay $0x7  }
0x7f: {  	s23 =	simm.s32 $0x80;
	v0 =	vld.idx.msk [tilespmem:v0+s2+$0x0], $0xffff  }
0x80: {  	v1 =	vld [tilespmem:s23+$0x10000];
	_ =	sdelay $0x3  }
0x81: {  	(erf) = vrcp.f32 v0;
	_ =	sdelay $0x1  }
0x82: {  	s22 =	simm.s32 $0x100  }
0x83: {  	v4 =	vld [tilespmem:s22+$0x10000]  }
0x84: {  	v1 =	vld.idx.msk [tilespmem:v1+s2+$0x0], $0xffff;
	_ =	sdelay $0x4  }
0x85: {  	v2 =	vpop (erf);
	(erf) = vrcp.f32 v1  }
0x86: {  	v5 =	vmul.f32 v2, v0  }
0x87: {  	v3 =	vld [tilespmem:s24+$0x14800]  }
0x88: {  	s25 =	simm.s32 $0x800;
	s24 =	simm.s32 $0x180;
	v4 =	vld.idx.msk [tilespmem:v4+s2+$0x0], $0xffff;
	v0 =	vimm.f32 $0.0e+00;
	v5 =	vsub.f32 $2.000000000e+00, v5  }
.LBB2_5:
0x89: {  	p1 =	sne.s32 s25, $0x11E00;
	v6 =	vld [tilespmem:s24+$0x10000]  }
0x8a: {  	v2 =	vmul.f32 v5, v2;
	_ =	sdelay $0x1  }
0x8b: {  	v3 =	vmul.f32 v2, v3  }
.Ltmp4:
0x8c: {  	(pc) =	sbr.rel @p1 .LBB2_5-.Ltmp4, $4  }
0x8d: {  	v0 =	vadd.f32 v3, v0;
	(erf) = vrcp.f32 v4;
	v2 =	vpop (erf)  }
0x8e: {  	v5 =	vmul.f32 v2, v1;
	v1 =	vmov v4  }
0x8f: {  	v3 =	vld [tilespmem:s23+$0x14800];
	s23 =	smov.u32 s22;
	s22 =	smov.u32 s24  }
0x90: {  	s24 =	sshra.s32 s25, $0x2;
	s25 =	sadd.s32 $0x200, s25;
	v4 =	vld.idx.msk [tilespmem:v6+s2+$0x0], $0xffff;
	v5 =	vsub.f32 $2.000000000e+00, v5  }
.Ltmp5:
0x91: {  	_ = 	snop;
	(pc) =	sbr.rel .LBB2_6-.Ltmp5, $1  }
0x92: {  	_ =	sdelay $0x3  }
.LBB2_8:
0x93: {  	_ =	sfence.sel $0x180000  }
0x94: {  	[bflag:$0x0] =	sbarrier.arrive $0xFFFF  }
0x95: {  	p0 =	sne.s32 s1, $0x0;
	_ =	strace $0x90000047  }
0x96: {  	s0 =	sadd.s32 @!p0 $0x100000, s0;
	[bflag:$0x2] =	sbarrier.arrive $0xFFFF  }
0x97: {  	[sflag:s0] =	ssyncadd.tile.s32 @!p0 $0x1;
	_ =	shalt  }
.Lfunc_end2:
_tile_overlayer_lowered:
.L_overlay_start_2:
0x98: {  	(tag) =	ssettag $0x2  }
0x99: {  	s0 =	rddreg [dreg:$0x0];
	s2 =	stileid.u32  }
0x9a: {  	s1 =	rddreg [dreg:$0x1];
	p0 =	sne.s32 s2, $0x0  }
0x9b: {  	s3 =	rddreg [dreg:$0x2];
	[bflag:$0x3] =	sbarrier.arrive $0xFFFF;
	s2 =	simm.s32 @!p0 $0x1C01  }
0x9c: {  	[timem:s3], [sflag:s2] =	dma.local @!p0 [hbm:s0], s1  }
0x9d: {  	s0 =	simm.s32 @!p0 $0x1  }
0x9e: {  	_ =	swait.ge @!p0 [sflag:s0], s1  }
0x9f: {  	s1 =	ssub.s32 @!p0 $0x0, s1;
	[sflag:s0] =	ssyncset.done @!p0 $0x0  }
0xa0: {  	[sflag:s0] =	ssyncadd.s32 @!p0 s1  }
0xa1: {  	[bflag:$0x3] =	sbarrier.arrive $0xFFFF  }
0xa2: {  	_ =	shalt  }

</sc_bundles>
